<compile_context>
chip_gen: v7x
topology: tpu7x:2x2x1
jax: 0.10.2.dev20260603
libtpu: 0.0.44.dev20260713+nightly
codegen_flags: <defaults>
</compile_context>

<pallas_src>
import functools

import jax
import jax.numpy as jnp
from jax import lax
from jax.experimental import pallas as pl
from jax.experimental.pallas import tpu as pltpu
from jax.experimental.pallas import tpu_sc as plsc

N = 10000
E = 320000
D = 128
NC = 2
NS = 16
NW = NC * NS
NPAD = 10240
RPT = NPAD // NS

CH = 80
EPT = E // NW
NCHUNK = EPT // CH
NBUF = 5

EPT_DEG = E // NS
NCH_DEG = EPT_DEG // CH

_mesh = plsc.VectorSubcoreMesh(core_axis_name="c", subcore_axis_name="s")


def _deg_body(dst_hbm, ew_hbm, deg_hbm, dstc, ewc, zbuf, deg_sh, sem0, sem1):
    c = lax.axis_index("c")
    s = lax.axis_index("s")

    pltpu.sync_copy(dst_hbm.at[s], dstc)
    pltpu.sync_copy(ew_hbm.at[s], ewc)

    def _z(i, carry):
        zbuf[pl.ds(i * 16, 16)] = jnp.zeros((16,), jnp.float32)
        return carry
    lax.fori_loop(0, RPT // 16, _z, 0)
    pltpu.sync_copy(zbuf, deg_sh.at[pl.ds(s * RPT, RPT)])
    plsc.subcore_barrier()

    sems = (sem0, sem1)

    def _pair(p, carry):
        for b in range(2):
            ci = p * 2 + b

            @pl.when(p >= 1)
            def _():
                prev = ci - 2
                pltpu.make_async_copy(
                    ewc.at[pl.ds(prev * CH, CH)],
                    deg_sh.at[dstc.at[prev]],
                    sems[b],
                ).wait()

            pltpu.async_copy(
                ewc.at[pl.ds(ci * CH, CH)],
                deg_sh.at[dstc.at[ci]],
                sems[b],
                add=True,
            )
        return carry
    lax.fori_loop(0, NCH_DEG // 2, _pair, 0)
    for b in range(2):
        ci = NCH_DEG - 2 + b
        pltpu.make_async_copy(
            ewc.at[pl.ds(ci * CH, CH)], deg_sh.at[dstc.at[ci]], sems[b]
        ).wait()
    plsc.subcore_barrier()

    @pl.when(c == 0)
    def _():
        pltpu.sync_copy(deg_sh.at[pl.ds(s * RPT, RPT)],
                        deg_hbm.at[pl.ds(s * RPT, RPT)])


@functools.partial(jax.jit, static_argnames=())
def _deg_call(dst16, ew16):
    return pl.kernel(
        _deg_body,
        out_type=jax.ShapeDtypeStruct((NPAD,), jnp.float32),
        mesh=_mesh,
        scratch_types=[
            pltpu.VMEM((NCH_DEG, CH), jnp.int32),
            pltpu.VMEM((EPT_DEG,), jnp.float32),
            pltpu.VMEM((RPT,), jnp.float32),
            pltpu.VMEM_SHARED((NPAD,), jnp.float32),
            pltpu.SemaphoreType.DMA,
            pltpu.SemaphoreType.DMA,
        ],
    )(dst16, ew16)


D2 = D // 2


def _agg_body(hp_hbm, src_hbm, dst_hbm, ew_hbm, out_hbm,
              sidx, didx, ewc, rows, accum,
              g0, g1, g2, g3, g4, s0, s1, s2, s3, s4):
    c = lax.axis_index("c")
    s = lax.axis_index("s")
    w = c * NS + s
    gsems = (g0, g1, g2, g3, g4)
    ssems = (s0, s1, s2, s3, s4)

    pltpu.sync_copy(src_hbm.at[w], sidx)
    pltpu.sync_copy(dst_hbm.at[w], didx)
    pltpu.sync_copy(ew_hbm.at[w], ewc)

    def _zr(i, carry):
        for k in range(D2 // 16):
            rows[0, i, pl.ds(k * 16, 16)] = jnp.zeros((16,), jnp.float32)
        return carry
    lax.fori_loop(0, CH, _zr, 0)
    for blk in range(RPT // CH):
        pltpu.sync_copy(rows.at[0],
                        accum.at[pl.ds(s * RPT + blk * CH, CH)])
    plsc.subcore_barrier()

    for b in range(NBUF):
        pltpu.async_copy(hp_hbm.at[sidx.at[b]], rows.at[b], gsems[b])

    def _outer(jo, carry):
        for b in range(NBUF):
            j = jo * NBUF + b
            sf = (b + 3) % NBUF

            @pl.when(jnp.logical_and(j >= 2, j <= NCHUNK - 4))
            def _():
                pltpu.make_async_copy(
                    rows.at[sf], accum.at[didx.at[j - 2]], ssems[sf]
                ).wait()
                pltpu.async_copy(
                    hp_hbm.at[sidx.at[j + 3]], rows.at[sf], gsems[sf]
                )

            pltpu.make_async_copy(
                hp_hbm.at[sidx.at[j]], rows.at[b], gsems[b]
            ).wait()

            def _scale(g, carry2):
                sv16 = ewc[j, pl.ds(g * 16, 16)]
                for l in range(16):
                    i = g * 16 + l
                    sv = jnp.full((16,), sv16[l], jnp.float32)
                    for k in range(D2 // 16):
                        rows[b, i, pl.ds(k * 16, 16)] = (
                            rows[b, i, pl.ds(k * 16, 16)] * sv)
                return carry2
            lax.fori_loop(0, CH // 16, _scale, 0)

            pltpu.async_copy(
                rows.at[b], accum.at[didx.at[j]], ssems[b], add=True)
        return carry
    lax.fori_loop(0, NCHUNK // NBUF, _outer, 0)

    for b in range(NBUF):
        pltpu.make_async_copy(
            rows.at[b], accum.at[didx.at[NCHUNK - NBUF + b]], ssems[b]
        ).wait()
    plsc.subcore_barrier()

    for blk in range(RPT // CH):
        off = s * RPT + blk * CH
        pltpu.sync_copy(accum.at[pl.ds(off, CH)],
                        out_hbm.at[c, pl.ds(off, CH)])


def _agg_call(hp_half, src3, dst3, ew3):
    return pl.kernel(
        _agg_body,
        out_type=jax.ShapeDtypeStruct((NC, NPAD, D2), jnp.float32),
        mesh=_mesh,
        scratch_types=[
            pltpu.VMEM((NCHUNK, CH), jnp.int32),
            pltpu.VMEM((NCHUNK, CH), jnp.int32),
            pltpu.VMEM((NCHUNK, CH), jnp.float32),
            pltpu.VMEM((NBUF, CH, D2), jnp.float32),
            pltpu.VMEM_SHARED((NPAD, D2), jnp.float32),
        ] + [pltpu.SemaphoreType.DMA] * 10,
        compiler_params=pltpu.CompilerParams(use_tc_tiling_on_sc=False),
    )(hp_half, src3, dst3, ew3)


RB = 1000


def _t1_body(x_ref, w_ref, deg_ref, hp_ref):
    dinv = lax.rsqrt(deg_ref[...] + 1.0)
    h = jnp.dot(x_ref[...], w_ref[...],
                preferred_element_type=jnp.float32)
    hp_ref[...] = h * dinv


def _t1_call(x, W1, deg2):
    return pl.pallas_call(
        _t1_body,
        grid=(N // RB,),
        in_specs=[
            pl.BlockSpec((RB, D), lambda i: (i, 0)),
            pl.BlockSpec((D, D), lambda i: (0, 0)),
            pl.BlockSpec((RB, 1), lambda i: (i, 0)),
        ],
        out_specs=pl.BlockSpec((RB, D), lambda i: (i, 0)),
        out_shape=jax.ShapeDtypeStruct((N, D), jnp.float32),
    )(x, W1, deg2)


def _t2_body(pa_ref, pb_ref, hp_ref, deg_ref, b1_ref, w_ref, out_ref):
    dinv = lax.rsqrt(deg_ref[...] + 1.0)
    pa = pa_ref[...]
    pb = pb_ref[...]
    agg = jnp.concatenate([pa[0] + pa[1], pb[0] + pb[1]], axis=1)
    z = (agg + hp_ref[...]) * dinv + b1_ref[...]
    z = jnp.maximum(z, 0.0)
    out_ref[...] = jnp.dot(z, w_ref[...],
                           preferred_element_type=jnp.float32) * dinv


def _t2_call(pa, pb, hp, deg2, b1r, W2):
    return pl.pallas_call(
        _t2_body,
        grid=(N // RB,),
        in_specs=[
            pl.BlockSpec((NC, RB, D2), lambda i: (0, i, 0)),
            pl.BlockSpec((NC, RB, D2), lambda i: (0, i, 0)),
            pl.BlockSpec((RB, D), lambda i: (i, 0)),
            pl.BlockSpec((RB, 1), lambda i: (i, 0)),
            pl.BlockSpec((1, D), lambda i: (0, 0)),
            pl.BlockSpec((D, D), lambda i: (0, 0)),
        ],
        out_specs=pl.BlockSpec((RB, D), lambda i: (i, 0)),
        out_shape=jax.ShapeDtypeStruct((N, D), jnp.float32),
    )(pa, pb, hp, deg2, b1r, W2)


def _t3_body(pa_ref, pb_ref, hp_ref, deg_ref, b2_ref, out_ref):
    dinv = lax.rsqrt(deg_ref[...] + 1.0)
    pa = pa_ref[...]
    pb = pb_ref[...]
    agg = jnp.concatenate([pa[0] + pa[1], pb[0] + pb[1]], axis=1)
    out_ref[...] = (agg + hp_ref[...]) * dinv + b2_ref[...]


def _t3_call(pa, pb, hp, deg2, b2r):
    return pl.pallas_call(
        _t3_body,
        grid=(N // RB,),
        in_specs=[
            pl.BlockSpec((NC, RB, D2), lambda i: (0, i, 0)),
            pl.BlockSpec((NC, RB, D2), lambda i: (0, i, 0)),
            pl.BlockSpec((RB, D), lambda i: (i, 0)),
            pl.BlockSpec((RB, 1), lambda i: (i, 0)),
            pl.BlockSpec((1, D), lambda i: (0, 0)),
        ],
        out_specs=pl.BlockSpec((RB, D), lambda i: (i, 0)),
        out_shape=jax.ShapeDtypeStruct((N, D), jnp.float32),
    )(pa, pb, hp, deg2, b2r)


def kernel(x, edge_index, edge_weight, W1, b1, W2, b2):
    src = edge_index[0].astype(jnp.int32)
    dst = edge_index[1].astype(jnp.int32)
    ew = edge_weight.astype(jnp.float32)

    src3 = src.reshape(NW, NCHUNK, CH)
    dst3 = dst.reshape(NW, NCHUNK, CH)
    ew3 = ew.reshape(NW, NCHUNK, CH)
    dst16 = dst.reshape(NS, NCH_DEG, CH)
    ew16 = ew.reshape(NS, EPT_DEG)

    deg_pad = _deg_call(dst16, ew16)
    deg2 = deg_pad[:N].reshape(N, 1)

    hp1 = _t1_call(x, W1, deg2)
    p1a = _agg_call(lax.slice(hp1, (0, 0), (N, D2)), src3, dst3, ew3)
    p1b = _agg_call(lax.slice(hp1, (0, D2), (N, D)), src3, dst3, ew3)
    hp2 = _t2_call(p1a, p1b, hp1, deg2, b1.reshape(1, D), W2)
    p2a = _agg_call(lax.slice(hp2, (0, 0), (N, D2)), src3, dst3, ew3)
    p2b = _agg_call(lax.slice(hp2, (0, D2), (N, D)), src3, dst3, ew3)
    out = _t3_call(p2a, p2b, hp2, deg2, b2.reshape(1, D))
    return out

# --- scband reference (transcript-rebuilt; emitter-appended) ---
"""Pipeline reference for scband-gcn-17540646436881 (READ-ONLY COPY).

The authoritative reference and input builder live on the scoring server;
editing this copy changes nothing except your own understanding.
"""

import jax, jax.numpy as jnp
import numpy as np

N_NODES = 10000
N_EDGES = 320000
D_IN = 128
D_HID = 128
D_OUT = 128


def setup_inputs(seed: int = 0) -> dict:
    key = jax.random.key(seed)
    k1, k2, k3, k4, k5, k6, k7 = [jax.random.fold_in(key, i) for i in range(7)]
    x = jax.random.normal(k1, (N_NODES, D_IN), dtype=jnp.float32)
    edge_index = jax.random.randint(k2, (2, N_EDGES), 0, N_NODES, dtype=jnp.int64)
    edge_weight = jax.random.uniform(k3, (N_EDGES,), dtype=jnp.float32)
    # Glorot-style init for GCNConv weights, zero bias (PyG defaults)
    s1 = float(np.sqrt(6.0 / (D_IN + D_HID)))
    s2 = float(np.sqrt(6.0 / (D_HID + D_OUT)))
    W1 = jax.random.uniform(k4, (D_IN, D_HID), dtype=jnp.float32, minval=-s1, maxval=s1)
    b1 = jnp.zeros((D_HID,), dtype=jnp.float32)
    W2 = jax.random.uniform(k5, (D_HID, D_OUT), dtype=jnp.float32, minval=-s2, maxval=s2)
    b2 = jnp.zeros((D_OUT,), dtype=jnp.float32)
    return {"x": x, "edge_index": edge_index, "edge_weight": edge_weight,
            "W1": W1, "b1": b1, "W2": W2, "b2": b2}


def _gcn_conv(x, src, dst, ew, W, b, num_nodes):
    # x' = D^{-1/2} (A + I) D^{-1/2} (x W) + b, matching PyG GCNConv with
    # add_self_loops=True, normalize=True, fill_value=1.0
    loop = jnp.arange(num_nodes, dtype=src.dtype)
    src2 = jnp.concatenate([src, loop])
    dst2 = jnp.concatenate([dst, loop])
    ew2 = jnp.concatenate([ew, jnp.ones((num_nodes,), dtype=ew.dtype)])
    deg = jnp.zeros((num_nodes,), dtype=ew.dtype).at[dst2].add(ew2)
    dinv = jnp.where(deg > 0, jax.lax.rsqrt(jnp.where(deg > 0, deg, 1.0)), 0.0)
    norm = dinv[src2] * ew2 * dinv[dst2]
    h = x @ W
    msg = h[src2] * norm[:, None]
    out = jnp.zeros((num_nodes, W.shape[1]), dtype=h.dtype).at[dst2].add(msg)
    return out + b


def reference(x, edge_index, edge_weight, W1, b1, W2, b2):
    src = edge_index[0]
    dst = edge_index[1]
    h = _gcn_conv(x, src, dst, edge_weight, W1, b1, N_NODES)
    h = jax.nn.relu(h)
    out = _gcn_conv(h, src, dst, edge_weight, W2, b2, N_NODES)
    return out

if __name__ == "__main__":
    import jax
    _d = setup_inputs()
    print(jax.jit(kernel)(*tuple(_d.values())))

</pallas_src>

<mosaic_0001>
#map = affine_map<(d0, d1) -> (0, 0, 0)>
#map1 = affine_map<(d0, d1) -> (0, 0)>
#map2 = affine_map<(d0, d1) -> (0)>
module attributes {stable_mosaic.version = 14 : i64} {
  func.func @_deg_body(%arg0: i32, %arg1: i32, %arg2: memref<16x250x80xi32, #tpu.memory_space<hbm>>, %arg3: memref<16x20000xf32, #tpu.memory_space<hbm>>, %arg4: memref<10240xf32, #tpu.memory_space<hbm>>, %arg5: memref<250x80xi32, #tpu.memory_space<vmem>>, %arg6: memref<20000xf32, #tpu.memory_space<vmem>>, %arg7: memref<640xf32, #tpu.memory_space<vmem>>, %arg8: memref<10240xf32, #tpu.memory_space<vmem_shared>>, %arg9: memref<!tpu.dma_semaphore, #tpu.memory_space<semaphore_mem>>, %arg10: memref<!tpu.dma_semaphore, #tpu.memory_space<semaphore_mem>>) attributes {dimension_semantics = [#tpu.dimension_semantics<core_parallel>, #tpu.dimension_semantics<subcore_parallel>], iteration_bounds = array<i64: 2, 16>, scalar_prefetch = 0 : i64, scratch_operands = 6 : i64, tpu.core_type = #tpu.core_type<sc_vector_subcore>, window_params = [{transform_indices = #map}, {transform_indices = #map1}, {transform_indices = #map2}]} {
    "tpu.region"() ({
      %run_scoped3A = tpu.sem_alloc : memref<!tpu.dma_semaphore, #tpu.memory_space<semaphore_mem>>
      %dma_start3A = arith.constant 0 : i32
      %dma_start3A_30 = arith.constant 0 : i32
      %dma_start3A_31 = tpu.memref_slice %arg2[%arg1, %dma_start3A, %dma_start3A_30] : memref<16x250x80xi32, #tpu.memory_space<hbm>> -> memref<1x250x80xi32, #tpu.memory_space<hbm>>
      %dma_start3A_32 = tpu.memref_squeeze %dma_start3A_31 : memref<1x250x80xi32, #tpu.memory_space<hbm>> -> memref<250x80xi32, #tpu.memory_space<hbm>>
      %dma_start3A_33 = arith.constant 0 : i32
      %dma_start3A_34 = arith.constant 0 : i32
      %dma_start3A_35 = tpu.memref_slice %arg2[%arg1, %dma_start3A_33, %dma_start3A_34] : memref<16x250x80xi32, #tpu.memory_space<hbm>> -> memref<1x250x80xi32, #tpu.memory_space<hbm>>
      %dma_start3A_36 = tpu.memref_squeeze %dma_start3A_35 : memref<1x250x80xi32, #tpu.memory_space<hbm>> -> memref<250x80xi32, #tpu.memory_space<hbm>>
      tpu.enqueue_dma source(%dma_start3A_36 : memref<250x80xi32, #tpu.memory_space<hbm>>) target(%arg5 : memref<250x80xi32, #tpu.memory_space<vmem>>) target_semaphore(%run_scoped3A : memref<!tpu.dma_semaphore, #tpu.memory_space<semaphore_mem>>)
      %dma_wait3A_37 = arith.constant 0 : i32
      %dma_wait3A_38 = arith.constant 0 : i32
      %dma_wait3A_39 = tpu.memref_slice %arg2[%arg1, %dma_wait3A_37, %dma_wait3A_38] : memref<16x250x80xi32, #tpu.memory_space<hbm>> -> memref<1x250x80xi32, #tpu.memory_space<hbm>>
      %dma_wait3A_40 = tpu.memref_squeeze %dma_wait3A_39 : memref<1x250x80xi32, #tpu.memory_space<hbm>> -> memref<250x80xi32, #tpu.memory_space<hbm>>
      %dma_wait3A_41 = arith.constant 0 : i32
      %dma_wait3A_42 = arith.constant 0 : i32
      %dma_wait3A_43 = tpu.memref_slice %arg2[%arg1, %dma_wait3A_41, %dma_wait3A_42] : memref<16x250x80xi32, #tpu.memory_space<hbm>> -> memref<1x250x80xi32, #tpu.memory_space<hbm>>
      %dma_wait3A_44 = tpu.memref_squeeze %dma_wait3A_43 : memref<1x250x80xi32, #tpu.memory_space<hbm>> -> memref<250x80xi32, #tpu.memory_space<hbm>>
      tpu.wait_dma2 semaphore(%run_scoped3A : memref<!tpu.dma_semaphore, #tpu.memory_space<semaphore_mem>>) src(%dma_wait3A_44 : memref<250x80xi32, #tpu.memory_space<hbm>>) dst(%arg5 : memref<250x80xi32, #tpu.memory_space<vmem>>)
      tpu.yield
    }) : () -> ()
    "tpu.region"() ({
      %run_scoped3A = tpu.sem_alloc : memref<!tpu.dma_semaphore, #tpu.memory_space<semaphore_mem>>
      %dma_start3A = arith.constant 0 : i32
      %dma_start3A_30 = tpu.memref_slice %arg3[%arg1, %dma_start3A] : memref<16x20000xf32, #tpu.memory_space<hbm>> -> memref<1x20000xf32, #tpu.memory_space<hbm>>
      %dma_start3A_31 = tpu.memref_squeeze %dma_start3A_30 : memref<1x20000xf32, #tpu.memory_space<hbm>> -> memref<20000xf32, #tpu.memory_space<hbm>>
      %dma_start3A_32 = arith.constant 0 : i32
      %dma_start3A_33 = tpu.memref_slice %arg3[%arg1, %dma_start3A_32] : memref<16x20000xf32, #tpu.memory_space<hbm>> -> memref<1x20000xf32, #tpu.memory_space<hbm>>
      %dma_start3A_34 = tpu.memref_squeeze %dma_start3A_33 : memref<1x20000xf32, #tpu.memory_space<hbm>> -> memref<20000xf32, #tpu.memory_space<hbm>>
      tpu.enqueue_dma source(%dma_start3A_34 : memref<20000xf32, #tpu.memory_space<hbm>>) target(%arg6 : memref<20000xf32, #tpu.memory_space<vmem>>) target_semaphore(%run_scoped3A : memref<!tpu.dma_semaphore, #tpu.memory_space<semaphore_mem>>)
      %dma_wait3A_35 = arith.constant 0 : i32
      %dma_wait3A_36 = tpu.memref_slice %arg3[%arg1, %dma_wait3A_35] : memref<16x20000xf32, #tpu.memory_space<hbm>> -> memref<1x20000xf32, #tpu.memory_space<hbm>>
      %dma_wait3A_37 = tpu.memref_squeeze %dma_wait3A_36 : memref<1x20000xf32, #tpu.memory_space<hbm>> -> memref<20000xf32, #tpu.memory_space<hbm>>
      %dma_wait3A_38 = arith.constant 0 : i32
      %dma_wait3A_39 = tpu.memref_slice %arg3[%arg1, %dma_wait3A_38] : memref<16x20000xf32, #tpu.memory_space<hbm>> -> memref<1x20000xf32, #tpu.memory_space<hbm>>
      %dma_wait3A_40 = tpu.memref_squeeze %dma_wait3A_39 : memref<1x20000xf32, #tpu.memory_space<hbm>> -> memref<20000xf32, #tpu.memory_space<hbm>>
      tpu.wait_dma2 semaphore(%run_scoped3A : memref<!tpu.dma_semaphore, #tpu.memory_space<semaphore_mem>>) src(%dma_wait3A_40 : memref<20000xf32, #tpu.memory_space<hbm>>) dst(%arg6 : memref<20000xf32, #tpu.memory_space<vmem>>)
      tpu.yield
    }) : () -> ()
    %scan3A = arith.constant 0 : i32
    %scan3A_0 = arith.constant 0 : i32
    %scan3A_1 = arith.constant 40 : i32
    %scan3A_2 = arith.addi %scan3A_0, %scan3A_1 : i32
    %scan3A_3 = arith.constant 1 : i32
    scf.for %scan3A_30 = %scan3A_0 to %scan3A_2 step %scan3A_3  : i32 {
      %broadcast_in_dim3A = arith.constant 0.000000e+00 : f32
      %broadcast_in_dim3A_31 = vector.broadcast %broadcast_in_dim3A : f32 to vector<16xf32>
      %mul3A_32 = arith.constant 16 : i32
      %mul3A_33 = arith.muli %scan3A_30, %mul3A_32 : i32
      %swap3A = arith.index_cast %mul3A_33 : i32 to index
      %swap3A_34 = tpu.vector_load %arg7[%swap3A] {strides = array<i32>} : memref<640xf32, #tpu.memory_space<vmem>>, vector<16xf32>,
      %swap3A_35 = vector.shape_cast %swap3A_34 : vector<16xf32> to vector<16xf32>
      %swap3A_36 = vector.shape_cast %broadcast_in_dim3A_31 : vector<16xf32> to vector<16xf32>
      tpu.vector_store %arg7[%swap3A], %swap3A_36 {strides = array<i32>} : memref<640xf32, #tpu.memory_space<vmem>>, vector<16xf32>,
    }
    %scan3A_4 = arith.constant 40 : i32
    %mul3A = arith.constant 640 : i32
    %mul3A_5 = arith.muli %arg1, %mul3A : i32
    "tpu.region"() ({
      %run_scoped3A = tpu.sem_alloc : memref<!tpu.dma_semaphore, #tpu.memory_space<semaphore_mem>>
      %dma_start3A = tpu.memref_slice %arg8[%mul3A_5] : memref<10240xf32, #tpu.memory_space<vmem_shared>> -> memref<640xf32, #tpu.memory_space<vmem_shared>>
      %dma_start3A_30 = tpu.memref_slice %arg8[%mul3A_5] : memref<10240xf32, #tpu.memory_space<vmem_shared>> -> memref<640xf32, #tpu.memory_space<vmem_shared>>
      tpu.enqueue_dma source(%arg7 : memref<640xf32, #tpu.memory_space<vmem>>) target(%dma_start3A_30 : memref<640xf32, #tpu.memory_space<vmem_shared>>) target_semaphore(%run_scoped3A : memref<!tpu.dma_semaphore, #tpu.memory_space<semaphore_mem>>)
      %dma_wait3A_31 = tpu.memref_slice %arg8[%mul3A_5] : memref<10240xf32, #tpu.memory_space<vmem_shared>> -> memref<640xf32, #tpu.memory_space<vmem_shared>>
      %dma_wait3A_32 = tpu.memref_slice %arg8[%mul3A_5] : memref<10240xf32, #tpu.memory_space<vmem_shared>> -> memref<640xf32, #tpu.memory_space<vmem_shared>>
      tpu.wait_dma2 semaphore(%run_scoped3A : memref<!tpu.dma_semaphore, #tpu.memory_space<semaphore_mem>>) src(%arg7 : memref<640xf32, #tpu.memory_space<vmem>>) dst(%dma_wait3A_32 : memref<640xf32, #tpu.memory_space<vmem_shared>>)
      tpu.yield
    }) : () -> ()
    %barrier3A = arith.constant 0 : index
    tpu.barrier barrier_id(%barrier3A)
    %scan3A_6 = arith.constant 0 : i32
    %scan3A_7 = arith.constant 0 : i32
    %scan3A_8 = arith.constant 125 : i32
    %scan3A_9 = arith.addi %scan3A_7, %scan3A_8 : i32
    %scan3A_10 = arith.constant 1 : i32
    scf.for %scan3A_30 = %scan3A_7 to %scan3A_9 step %scan3A_10  : i32 {
      %mul3A_31 = arith.constant 2 : i32
      %mul3A_32 = arith.muli %scan3A_30, %mul3A_31 : i32
      %add3A = arith.constant 0 : i32
      %add3A_33 = arith.addi %mul3A_32, %add3A : i32
      %ge3A = arith.constant 1 : i32
      %ge3A_34 = arith.cmpi sge, %scan3A_30, %ge3A : i32
      %convert_element_type3A_35 = arith.extui %ge3A_34 : i1 to i32
      %cond3A_36 = arith.constant 0 : i32
      %cond3A_37 = arith.cmpi ne, %convert_element_type3A_35, %cond3A_36 : i32
      scf.if %cond3A_37 {
        %sub3A = arith.constant 2 : i32
        %sub3A_62 = arith.subi %add3A_33, %sub3A : i32
        %mul3A_63 = arith.constant 80 : i32
        %mul3A_64 = arith.muli %sub3A_62, %mul3A_63 : i32
        %dma_wait3A_65 = tpu.memref_slice %arg6[%mul3A_64] : memref<20000xf32, #tpu.memory_space<vmem>> -> memref<80xf32, #tpu.memory_space<vmem>>
        %dma_wait3A_66 = arith.constant 0 : i32
        %dma_wait3A_67 = tpu.memref_slice %arg5[%sub3A_62, %dma_wait3A_66] : memref<250x80xi32, #tpu.memory_space<vmem>> -> memref<1x80xi32, #tpu.memory_space<vmem>>
        %dma_wait3A_68 = tpu.memref_squeeze %dma_wait3A_67 : memref<1x80xi32, #tpu.memory_space<vmem>> -> memref<80xi32, #tpu.memory_space<vmem>>
        %dma_wait3A_69 = arith.constant 0 : i32
        %dma_wait3A_70 = tpu.memref_slice %arg8[%dma_wait3A_69] : memref<10240xf32, #tpu.memory_space<vmem_shared>> -> memref<10240xf32, #tpu.memory_space<vmem_shared>>
        tpu.wait_indirect_dma semaphore(%arg9 : memref<!tpu.dma_semaphore, #tpu.memory_space<semaphore_mem>>) src(%dma_wait3A_65 : memref<80xf32, #tpu.memory_space<vmem>>) dst(%dma_wait3A_70 : memref<10240xf32, #tpu.memory_space<vmem_shared>>)
      } else {
      }
      %mul3A_38 = arith.constant 80 : i32
      %mul3A_39 = arith.muli %add3A_33, %mul3A_38 : i32
      %dma_start3A = tpu.memref_slice %arg6[%mul3A_39] : memref<20000xf32, #tpu.memory_space<vmem>> -> memref<80xf32, #tpu.memory_space<vmem>>
      %dma_start3A_40 = arith.constant 0 : i32
      %dma_start3A_41 = tpu.memref_slice %arg5[%add3A_33, %dma_start3A_40] : memref<250x80xi32, #tpu.memory_space<vmem>> -> memref<1x80xi32, #tpu.memory_space<vmem>>
      %dma_start3A_42 = tpu.memref_squeeze %dma_start3A_41 : memref<1x80xi32, #tpu.memory_space<vmem>> -> memref<80xi32, #tpu.memory_space<vmem>>
      %dma_start3A_43 = arith.constant 0 : i32
      %dma_start3A_44 = tpu.memref_slice %arg8[%dma_start3A_43] : memref<10240xf32, #tpu.memory_space<vmem_shared>> -> memref<10240xf32, #tpu.memory_space<vmem_shared>>
      tpu.enqueue_indirect_dma source(%dma_start3A : memref<80xf32, #tpu.memory_space<vmem>>) target(%dma_start3A_44 : memref<10240xf32, #tpu.memory_space<vmem_shared>>) offsets(%dma_start3A_42 : memref<80xi32, #tpu.memory_space<vmem>>) semaphore(%arg9 : memref<!tpu.dma_semaphore, #tpu.memory_space<semaphore_mem>>) {add = true}
      %mul3A_45 = arith.constant 2 : i32
      %mul3A_46 = arith.muli %scan3A_30, %mul3A_45 : i32
      %add3A_47 = arith.constant 1 : i32
      %add3A_48 = arith.addi %mul3A_46, %add3A_47 : i32
      %ge3A_49 = arith.constant 1 : i32
      %ge3A_50 = arith.cmpi sge, %scan3A_30, %ge3A_49 : i32
      %convert_element_type3A_51 = arith.extui %ge3A_50 : i1 to i32
      %cond3A_52 = arith.constant 0 : i32
      %cond3A_53 = arith.cmpi ne, %convert_element_type3A_51, %cond3A_52 : i32
      scf.if %cond3A_53 {
        %sub3A = arith.constant 2 : i32
        %sub3A_62 = arith.subi %add3A_48, %sub3A : i32
        %mul3A_63 = arith.constant 80 : i32
        %mul3A_64 = arith.muli %sub3A_62, %mul3A_63 : i32
        %dma_wait3A_65 = tpu.memref_slice %arg6[%mul3A_64] : memref<20000xf32, #tpu.memory_space<vmem>> -> memref<80xf32, #tpu.memory_space<vmem>>
        %dma_wait3A_66 = arith.constant 0 : i32
        %dma_wait3A_67 = tpu.memref_slice %arg5[%sub3A_62, %dma_wait3A_66] : memref<250x80xi32, #tpu.memory_space<vmem>> -> memref<1x80xi32, #tpu.memory_space<vmem>>
        %dma_wait3A_68 = tpu.memref_squeeze %dma_wait3A_67 : memref<1x80xi32, #tpu.memory_space<vmem>> -> memref<80xi32, #tpu.memory_space<vmem>>
        %dma_wait3A_69 = arith.constant 0 : i32
        %dma_wait3A_70 = tpu.memref_slice %arg8[%dma_wait3A_69] : memref<10240xf32, #tpu.memory_space<vmem_shared>> -> memref<10240xf32, #tpu.memory_space<vmem_shared>>
        tpu.wait_indirect_dma semaphore(%arg10 : memref<!tpu.dma_semaphore, #tpu.memory_space<semaphore_mem>>) src(%dma_wait3A_65 : memref<80xf32, #tpu.memory_space<vmem>>) dst(%dma_wait3A_70 : memref<10240xf32, #tpu.memory_space<vmem_shared>>)
      } else {
      }
      %mul3A_54 = arith.constant 80 : i32
      %mul3A_55 = arith.muli %add3A_48, %mul3A_54 : i32
      %dma_start3A_56 = tpu.memref_slice %arg6[%mul3A_55] : memref<20000xf32, #tpu.memory_space<vmem>> -> memref<80xf32, #tpu.memory_space<vmem>>
      %dma_start3A_57 = arith.constant 0 : i32
      %dma_start3A_58 = tpu.memref_slice %arg5[%add3A_48, %dma_start3A_57] : memref<250x80xi32, #tpu.memory_space<vmem>> -> memref<1x80xi32, #tpu.memory_space<vmem>>
      %dma_start3A_59 = tpu.memref_squeeze %dma_start3A_58 : memref<1x80xi32, #tpu.memory_space<vmem>> -> memref<80xi32, #tpu.memory_space<vmem>>
      %dma_start3A_60 = arith.constant 0 : i32
      %dma_start3A_61 = tpu.memref_slice %arg8[%dma_start3A_60] : memref<10240xf32, #tpu.memory_space<vmem_shared>> -> memref<10240xf32, #tpu.memory_space<vmem_shared>>
      tpu.enqueue_indirect_dma source(%dma_start3A_56 : memref<80xf32, #tpu.memory_space<vmem>>) target(%dma_start3A_61 : memref<10240xf32, #tpu.memory_space<vmem_shared>>) offsets(%dma_start3A_59 : memref<80xi32, #tpu.memory_space<vmem>>) semaphore(%arg10 : memref<!tpu.dma_semaphore, #tpu.memory_space<semaphore_mem>>) {add = true}
    }
    %scan3A_11 = arith.constant 125 : i32
    %dma_wait3A = arith.constant 248 : i32
    %dma_wait3A_12 = arith.constant 19840 : i32
    %dma_wait3A_13 = tpu.memref_slice %arg6[%dma_wait3A_12] : memref<20000xf32, #tpu.memory_space<vmem>> -> memref<80xf32, #tpu.memory_space<vmem>>
    %dma_wait3A_14 = arith.constant 0 : i32
    %dma_wait3A_15 = tpu.memref_slice %arg5[%dma_wait3A, %dma_wait3A_14] : memref<250x80xi32, #tpu.memory_space<vmem>> -> memref<1x80xi32, #tpu.memory_space<vmem>>
    %dma_wait3A_16 = tpu.memref_squeeze %dma_wait3A_15 : memref<1x80xi32, #tpu.memory_space<vmem>> -> memref<80xi32, #tpu.memory_space<vmem>>
    %dma_wait3A_17 = arith.constant 0 : i32
    %dma_wait3A_18 = tpu.memref_slice %arg8[%dma_wait3A_17] : memref<10240xf32, #tpu.memory_space<vmem_shared>> -> memref<10240xf32, #tpu.memory_space<vmem_shared>>
    tpu.wait_indirect_dma semaphore(%arg9 : memref<!tpu.dma_semaphore, #tpu.memory_space<semaphore_mem>>) src(%dma_wait3A_13 : memref<80xf32, #tpu.memory_space<vmem>>) dst(%dma_wait3A_18 : memref<10240xf32, #tpu.memory_space<vmem_shared>>)
    %dma_wait3A_19 = arith.constant 249 : i32
    %dma_wait3A_20 = arith.constant 19920 : i32
    %dma_wait3A_21 = tpu.memref_slice %arg6[%dma_wait3A_20] : memref<20000xf32, #tpu.memory_space<vmem>> -> memref<80xf32, #tpu.memory_space<vmem>>
    %dma_wait3A_22 = arith.constant 0 : i32
    %dma_wait3A_23 = tpu.memref_slice %arg5[%dma_wait3A_19, %dma_wait3A_22] : memref<250x80xi32, #tpu.memory_space<vmem>> -> memref<1x80xi32, #tpu.memory_space<vmem>>
    %dma_wait3A_24 = tpu.memref_squeeze %dma_wait3A_23 : memref<1x80xi32, #tpu.memory_space<vmem>> -> memref<80xi32, #tpu.memory_space<vmem>>
    %dma_wait3A_25 = arith.constant 0 : i32
    %dma_wait3A_26 = tpu.memref_slice %arg8[%dma_wait3A_25] : memref<10240xf32, #tpu.memory_space<vmem_shared>> -> memref<10240xf32, #tpu.memory_space<vmem_shared>>
    tpu.wait_indirect_dma semaphore(%arg10 : memref<!tpu.dma_semaphore, #tpu.memory_space<semaphore_mem>>) src(%dma_wait3A_21 : memref<80xf32, #tpu.memory_space<vmem>>) dst(%dma_wait3A_26 : memref<10240xf32, #tpu.memory_space<vmem_shared>>)
    %barrier3A_27 = arith.constant 0 : index
    tpu.barrier barrier_id(%barrier3A_27)
    %eq3A = arith.constant 0 : i32
    %eq3A_28 = arith.cmpi eq, %arg0, %eq3A : i32
    %convert_element_type3A = arith.extui %eq3A_28 : i1 to i32
    %cond3A = arith.constant 0 : i32
    %cond3A_29 = arith.cmpi ne, %convert_element_type3A, %cond3A : i32
    scf.if %cond3A_29 {
      %mul3A_30 = arith.constant 640 : i32
      %mul3A_31 = arith.muli %arg1, %mul3A_30 : i32
      %mul3A_32 = arith.constant 640 : i32
      %mul3A_33 = arith.muli %arg1, %mul3A_32 : i32
      "tpu.region"() ({
        %run_scoped3A = tpu.sem_alloc : memref<!tpu.dma_semaphore, #tpu.memory_space<semaphore_mem>>
        %dma_start3A = tpu.memref_slice %arg4[%mul3A_33] : memref<10240xf32, #tpu.memory_space<hbm>> -> memref<640xf32, #tpu.memory_space<hbm>>
        %dma_start3A_34 = tpu.memref_slice %arg8[%mul3A_31] : memref<10240xf32, #tpu.memory_space<vmem_shared>> -> memref<640xf32, #tpu.memory_space<vmem_shared>>
        tpu.enqueue_dma source(%dma_start3A_34 : memref<640xf32, #tpu.memory_space<vmem_shared>>) target(%dma_start3A : memref<640xf32, #tpu.memory_space<hbm>>) target_semaphore(%run_scoped3A : memref<!tpu.dma_semaphore, #tpu.memory_space<semaphore_mem>>)
        %dma_wait3A_35 = tpu.memref_slice %arg4[%mul3A_33] : memref<10240xf32, #tpu.memory_space<hbm>> -> memref<640xf32, #tpu.memory_space<hbm>>
        %dma_wait3A_36 = tpu.memref_slice %arg8[%mul3A_31] : memref<10240xf32, #tpu.memory_space<vmem_shared>> -> memref<640xf32, #tpu.memory_space<vmem_shared>>
        tpu.wait_dma2 semaphore(%run_scoped3A : memref<!tpu.dma_semaphore, #tpu.memory_space<semaphore_mem>>) src(%dma_wait3A_36 : memref<640xf32, #tpu.memory_space<vmem_shared>>) dst(%dma_wait3A_35 : memref<640xf32, #tpu.memory_space<hbm>>)
        tpu.yield
      }) : () -> ()
    } else {
    }
    return
  }
}

</mosaic_0001>

<sc_bundles>
// kernel: _deg_call.3.cloned.1.call-start
scs
__scs_entry_jumppad:
0x0: {  	(pc) =	sbr.rel $0x88, $3  }
0x1: {  	(tag) =	ssettag $0x0;
	lr =	simm.s32 $0x1  }
0x2: {  	[smem:$0x3F9F] =	sst lr;
	_ =	strace $0xD0000000  }
0x3: {  	_ = 	snop  }
0x4: {  	_ = 	snop  }
0x5: {  	_ = 	snop  }
0x6: {  	_ = 	snop  }
0x7: {  	_ = 	snop  }
__scs_overlays_trampoline_lowered:
0x8: {  	[smem:$0x3FAE] =	sst s0  }
0x9: {  	[smem:$0x3FAF] =	sst s1  }
0xa: {  	[smem:$0x3FB0] =	sst s2  }
0xb: {  	[smem:$0x3FB1] =	sst s3  }
0xc: {  	[smem:$0x3FB2] =	sst s4  }
0xd: {  	[smem:$0x3FB3] =	sst s5  }
0xe: {  	[smem:$0x3FB4] =	sst s6  }
0xf: {  	[smem:$0x3FB5] =	sst s7  }
0x10: {  	[smem:$0x3FB6] =	sst s8  }
0x11: {  	[smem:$0x3FB7] =	sst s9;
	s0 =	simm.s32 @!p0 $0x0  }
0x12: {  	s1 =	sld [smem:$0x3F9D];
	s0 =	simm.s32 @p0 $0x1  }
0x13: {  	[smem:$0x3FB8] =	sst s0;
	s0 =	simm.s32 @!p1 $0x0  }
0x14: {  	s2 =	sld [smem:$0x3F9C];
	s0 =	simm.s32 @p1 $0x1  }
0x15: {  	[smem:$0x3FB9] =	sst s0;
	s0 =	simm.s32 @!p2 $0x0  }
0x16: {  	s3 =	sld [smem:$0x3FDB];
	s0 =	simm.s32 @p2 $0x1  }
0x17: {  	s4 =	simm.s32 $0x1BF5;
	[smem:$0x3FBB] =	sst s0  }
0x18: {  	s0 =	sld [smem:$0x3F9E];
	_ =	swait.ge [sflag:s4], $0x0  }
0x19: {  	s7 =	sld [smem:$0x3F9F]  }
0x1a: {  	s8 =	sadd.s32 $0xFFFFE003, lr  }
0x1b: {  	s9 =	sadd.s32 $0xFFFFFEF7, lr;
	s5 =	simm.s32 $0xFFFFFFFF;
	p2 =	slt.u32 s8, $0xFFFFF086  }
0x1c: {  	p1 =	slt.u32 s9, $0xF7A;
	s5 =	simm.s32 @!p2 $0x0  }
0x1d: {  	s5 =	simm.s32 @p1 $0x1;
	p0 =	seq.s32 s7, s2  }
0x1e: {  	s7 =	smul.u32 @!p0 $0xF7A, s2;
	p2 =	seq.s32 @!p0 s5, $0x0  }
0x1f: {  	s9 =	smul.u32 $0xF7A, s1;
	s8 =	simm.s32 @!p0 $0x1BF5;
	p2 =	por !p2, p0  }
0x20: {  	[sflag:s8] =	ssyncset.s32 @!p0 $0xFFFFF086;
	s6 =	sadd.s32 @!p0 s3, s7;
	s7 =	simm.s32 @!p0 $0x108  }
0x21: {  	s3 =	sadd.s32 s3, s9;
	s6 =	sadd.s32 @!p0 $0x88, s6;
	s7 =	simm.s32 @p2 $0x1082  }
0x22: {  	[simem:s7], [sflag:s8] =	dma.local @!p0 [hbm:s6], $0xF7A  }
0x23: {  	s9 =	sor.u32 $0xD0000000, s2;
	s6 =	simm.s32 $0x108;
	_ =	swait.ge @!p0 [sflag:s8], $0x0  }
0x24: {  	s3 =	sadd.s32 $0x88, s3;
	s6 =	simm.s32 @!p1 $0x1082;
	[sflag:s4] =	ssyncset.s32 $0xFFFFF086  }
0x25: {  	[simem:s6], [sflag:s4] =	dma.local [hbm:s3], $0xF7A  }
0x26: {  	[smem:$0x3F9F] =	sst s1;
	(tag) =	ssettag s2;
	_ =	strace s9  }
0x27: {  	s1 =	sld [smem:$0x3FAF]  }
0x28: {  	s2 =	sld [smem:$0x3FB0]  }
0x29: {  	s4 =	sld [smem:$0x3FB2]  }
0x2a: {  	p0 =	seq.s32 s5, $0x0;
	s5 =	sld [smem:$0x3FB3]  }
0x2b: {  	s6 =	sld [smem:$0x3FB4]  }
0x2c: {  	s7 =	sld [smem:$0x3FB5]  }
0x2d: {  	s3 =	simm.s32 $0x108;
	s8 =	sld [smem:$0x3FB6]  }
0x2e: {  	s3 =	simm.s32 @!p0 $0x1082;
	s9 =	sld [smem:$0x3FB7]  }
0x2f: {  	lr =	sadd.s32 s0, s3;
	s0 =	sld [smem:$0x3FAE]  }
0x30: {  	s3 =	sld [smem:$0x3FB1]  }
0x31: {  	[smem:$0x3FBA] =	sst s10  }
0x32: {  	s10 =	sld [smem:$0x3FB8];
	_ =	sdelay $0x3  }
0x33: {  	p0 =	seq.s32 s10, $0x1;
	s10 =	sld [smem:$0x3FBA];
	_ =	sdelay $0x3  }
0x34: {  	[smem:$0x3FBA] =	sst s10  }
0x35: {  	s10 =	sld [smem:$0x3FB9];
	_ =	sdelay $0x3  }
0x36: {  	p1 =	seq.s32 s10, $0x1;
	s10 =	sld [smem:$0x3FBA];
	_ =	sdelay $0x3  }
0x37: {  	[smem:$0x3FBA] =	sst s10  }
0x38: {  	s10 =	sld [smem:$0x3FBB]  }
0x39: {  	_ = 	snop;
	(pc) =	sbr.ind lr, $3  }
0x3a: {  	_ = 	snop  }
0x3b: {  	_ = 	snop  }
0x3c: {  	p2 =	seq.s32 s10, $0x1;
	s10 =	sld [smem:$0x3FBA]  }
0x3d: {  	_ =	shalt  }
0x3e: {  	_ =	shalt  }
0x3f: {  	_ =	shalt  }
0x40: {  	_ =	shalt  }
0x41: {  	_ =	shalt  }
0x42: {  	_ =	shalt  }
0x43: {  	_ =	shalt  }
0x44: {  	_ =	shalt  }
0x45: {  	_ =	shalt  }
0x46: {  	_ =	shalt  }
0x47: {  	_ =	shalt  }
0x48: {  	_ =	shalt  }
0x49: {  	_ =	shalt  }
0x4a: {  	_ =	shalt  }
0x4b: {  	_ =	shalt  }
0x4c: {  	_ =	shalt  }
0x4d: {  	_ =	shalt  }
0x4e: {  	_ =	shalt  }
0x4f: {  	_ =	shalt  }
0x50: {  	_ =	shalt  }
0x51: {  	_ =	shalt  }
0x52: {  	_ =	shalt  }
0x53: {  	_ =	shalt  }
0x54: {  	_ =	shalt  }
0x55: {  	_ =	shalt  }
0x56: {  	_ =	shalt  }
0x57: {  	_ =	shalt  }
0x58: {  	_ =	shalt  }
0x59: {  	_ =	shalt  }
0x5a: {  	_ =	shalt  }
0x5b: {  	_ =	shalt  }
0x5c: {  	_ =	shalt  }
0x5d: {  	_ =	shalt  }
0x5e: {  	_ =	shalt  }
0x5f: {  	_ =	shalt  }
0x60: {  	_ =	shalt  }
0x61: {  	_ =	shalt  }
0x62: {  	_ =	shalt  }
0x63: {  	_ =	shalt  }
0x64: {  	_ =	shalt  }
0x65: {  	_ =	shalt  }
0x66: {  	_ =	shalt  }
0x67: {  	_ =	shalt  }
0x68: {  	_ =	shalt  }
0x69: {  	_ =	shalt  }
0x6a: {  	_ =	shalt  }
0x6b: {  	_ =	shalt  }
0x6c: {  	_ =	shalt  }
0x6d: {  	_ =	shalt  }
0x6e: {  	_ =	shalt  }
0x6f: {  	_ =	shalt  }
0x70: {  	_ =	shalt  }
0x71: {  	_ =	shalt  }
0x72: {  	_ =	shalt  }
0x73: {  	_ =	shalt  }
0x74: {  	_ =	shalt  }
0x75: {  	_ =	shalt  }
0x76: {  	_ =	shalt  }
0x77: {  	_ =	shalt  }
0x78: {  	_ =	shalt  }
0x79: {  	_ =	shalt  }
0x7a: {  	_ =	shalt  }
0x7b: {  	_ =	shalt  }
0x7c: {  	_ =	shalt  }
0x7d: {  	_ =	shalt  }
0x7e: {  	_ =	shalt  }
0x7f: {  	_ =	shalt  }
0x80: {  	_ =	shalt  }
0x81: {  	_ =	shalt  }
0x82: {  	_ =	shalt  }
0x83: {  	_ =	shalt  }
0x84: {  	_ =	shalt  }
0x85: {  	_ =	shalt  }
0x86: {  	_ =	shalt  }
0x87: {  	_ =	shalt  }
.Lfunc_end0:
.L_simem_size_0:
called_computation_lowered:
.L_overlay_start_0:
0x88: {  	s2 =	sld [smem:$0x3FD9]  }
0x89: {  	s3 =	sld [smem:$0x3FFE];
	_ =	sdelay $0x1  }
0x8a: {  	s1 =	srdreg.scid  }
0x8b: {  	s0 =	sand.u32 $0x1, s1  }
0x8c: {  	s17 =	sshll.u32 s0, $0xA;
	s2 =	sadd.s32 s3, s2  }
0x8d: {  	s2 =	sadd.s32 s2, s17  }
0x8e: {  	[smem:$0x3FC6] =	sst s2  }
0x8f: {  	_ = 	snop  }
0x90: {  	s2 =	sld [smem:$0x3FC8]  }
0x91: {  	s18 =	sld [smem:$0x3FD0];
	(tm) =	ssettm $0x1  }
0x92: {  	s4 =	sld [smem:$0x3FFB];
	_ =	sdelay $0x3  }
0x93: {  	_ =	strace s4  }
0x94: {  	s4 =	sld [smem:$0x3FFC];
	_ =	sdelay $0x3  }
0x95: {  	_ =	strace s4  }
0x96: {  	s4 =	sld [smem:$0x3FFD];
	_ =	sdelay $0x3  }
0x97: {  	_ =	strace s4  }
0x98: {  	_ =	strace $0x8FFFFFFF  }
0x99: {  	s19 =	sld [smem:$0x3FDB];
	_ =	sdelay $0x1  }
0x9a: {  	s5 =	simm.s32 $_scs_section_size  }
0x9b: {  	s6 =	simm.s32 $_size__tile_overlayer_lowered;
	s7 =	simm.s32 $_tile_overlayer_lowered  }
0x9c: {  	s22 =	simm.s32 $0x1BFF;
	s21 =	sshll.u32 s7, $0x1;
	s4 =	sadd.s32 s5, s19  }
0x9d: {  	s8 =	simm.s32 $0x0;
	s20 =	sshll.u32 s6, $0x1;
	s6 =	sadd.s32 s21, s4  }
0x9e: {  	[timem:s8], [sflag:s22] =	dma.local [hbm:s6], s20  }
0x9f: {  	_ =	swait.ge [sflag:s22], s20  }
0xa0: {  	s5 =	ssub.s32 $0x0, s20;
	[sflag:s22] =	ssyncset.done $0x0  }
0xa1: {  	[sflag:s22] =	ssyncadd.s32 s5;
	_ =	sdelay $0x1  }
0xa2: {  	s23 =	simm.s32 $0x1B8B  }
0xa3: {  	_ =	swait.ge [sflag:s23], $0x1  }
0xa4: {  	[sflag:s23] =	ssyncset.done $0x0  }
0xa5: {  	s25 =	simm.s32 $0x1B8E;
	s24 =	sld [smem:$0x3FFE];
	[sflag:s23] =	ssyncadd.s32 $0xFFFFFFFF  }
0xa6: {  	s26 =	simm.s32 $execute0_lowered;
	[smem:$0x3FD2] =	sst s25  }
0xa7: {  	s6 =	sshll.u32 s26, $0x1;
	_ =	strace $0x80000046;
	[dreg:$0x1] =	wrdreg $0xFFFFFFFF  }
0xa8: {  	s28 =	simm.s32 $_size_execute0_lowered;
	s4 =	sadd.s32 s4, s6;
	[dreg:$0x0] =	wrdreg $0x0  }
0xa9: {  	s6 =	sshll.u32 s28, $0x1;
	[dreg:$0x2] =	wrdreg s4  }
0xaa: {  	[dreg:$0x3] =	wrdreg s6  }
0xab: {  	[dreg:$0x4] =	wrdreg $0xC0  }
0xac: {  	_ =	task [dreg:s8], $0x5FFFF  }
0xad: {  	[dreg:$0x1] =	wrdreg $0xFFFFFFFF  }
0xae: {  	[dreg:$0x0] =	wrdreg $0x60  }
0xaf: {  	[dreg:$0x2] =	wrdreg s24  }
0xb0: {  	[dreg:$0x3] =	wrdreg s2  }
0xb1: {  	[dreg:$0x4] =	wrdreg s18  }
0xb2: {  	[dreg:$0x5] =	wrdreg $0xD1000  }
0xb3: {  	[dreg:$0x6] =	wrdreg $0x9  }
0xb4: {  	_ =	task.clear_ibuf [dreg:s8], $0x7FFFF;
	_ =	strace $0x90000046  }
0xb5: {  	s29 =	simm.s32 $0x9;
	_ =	strace $0x80000048  }
0xb6: {  	_ =	swait.ge [sflag:s29], $0x1  }
0xb7: {  	[sflag:s29] =	ssyncadd.s32 $0xFFFFFFFF  }
0xb8: {  	_ =	strace $0x90000048  }
0xb9: {  	_ =	sfence  }
0xba: {  	s30 =	sld [smem:$0x0];
	_ =	sdelay $0x2  }
0xbb: {  	s31 =	sshll.u32 s1, $0xD;
	s1 =	sshrl.u32 s1, $0x2  }
0xbc: {  	s3 =	sand.u32 $0x4000, s31;
	s1 =	sadd.s32 s1, s30  }
0xbd: {  	s0 =	sor.u32 s3, s0;
	s1 =	sshll.u32 s1, $0x11  }
0xbe: {  	s0 =	sor.u32 s1, s0  }
0xbf: {  	s0 =	sadd.s32 $0x8F2B, s0  }
0xc0: {  	[sflag:s0] =	ssyncadd.remote.s32 $0x1  }
0xc1: {  	_ =	sfence.sel $0xFFFF  }
0xc2: {  	[dreg:$0x0] =	wrdreg $0xFFFFFFFF;
	(pc) =	sbr.abs _section_cstart, $3  }
0xc3: {  	[dreg:$0x1] =	wrdreg $0xFFFFFFFF  }
0xc4: {  	_ =	task.clear_ibuf [dreg:s8], $0x2FFFF;
	_ =	strace $0x9FFFFFFF  }
0xc5: {  	(tm) =	ssettm $0x7FFFFFFF  }
tec
execute0_lowered:
.L_overlay_start_1:
0x0: {  	(tag) =	ssettag $0x1  }
0x1: {  	s4 =	rddreg [dreg:$0x0]  }
0x2: {  	s5 =	rddreg [dreg:$0x1]  }
0x3: {  	s7 =	rddreg [dreg:$0x2]  }
0x4: {  	s1 =	rddreg [dreg:$0x3]  }
0x5: {  	s0 =	rddreg [dreg:$0x4];
	s3 =	simm.s32 $0x0;
	s2 =	stileid.u32  }
0x6: {  	s6 =	srdreg.scid;
	s13 =	simm.s32 $0xCE80;
	s14 =	simm.s32 $0x50  }
0x7: {  	s15 =	simm.s32 $0x8050;
	s17 =	simm.s32 $0x2;
	s20 =	simm.s32 $0x0  }
0x8: {  	[smem:$0x7FF] =	sst s3;
	s8 =	sshll.u32 s2, $0xC;
	s16 =	sand.u32 $0x1, s6  }
0x9: {  	s29 =	sshrl.u32 s2, $0x3;
	s10 =	sshll.u32 s2, $0x7;
	s12 =	smul.u32 $0x280, s2  }
0xa: {  	_ =	strace $0x80000047;
	s9 =	ssub.s32 $0x2, s16;
	s6 =	smul.u32 $0x27400, s29  }
0xb: {  	s10 =	sand.u32 $0x380, s10;
	s4 =	sadd.s32 s8, s4;
	p0 =	sne.s32 s16, $0x0  }
0xc: {  	s16 =	simm.s32 $0x1;
	s11 =	sshrl.u32 s9, $0x1;
	s4 =	sadd.s32 $0x400, s4  }
0xd: {  	s31 =	sshrl.u32 s12, $0x3;
	s18 =	sshll.u32 @!p0 s2, $0x6;
	s30 =	ssub.s32 s9, s11  }
0xe: {  	s6 =	sor.u32 s10, s6;
	s7 =	sadd.s32 s7, s31;
	s9 =	simm.s32 $0x3  }
0xf: {  	s10 =	simm.s32 $0x80;
	s11 =	simm.s32 $0x400;
	s6 =	sshrl.u32 s6, $0x3  }
0x10: {  	s18 =	sor.u32 @!p0 $0x1C03, s18;
	s5 =	sadd.s32 s5, s6;
	s6 =	sadd.s32 s12, s1  }
0x11: {  	v0 =	vimm.f32 $0.0e+00;
	s8 =	smax.u32 s30, $0x1;
	s12 =	simm.s32 $0x8000;
	s19 =	sshrl.u32 @!p0 s6, $0x3  }
.LBB2_1:
0x12: {  	[tilespmem:s3], [sflag:$0x3] =	stream.linear.gather [hbm4b:s4+s3], $0x7D00, $0x38;
	[tilespmem:$0xD380] =	vst v63  }
0x13: {  	_ =	swait.ge [sflag:s9], $0x7D00  }
0x14: {  	[sflag:s9] =	ssyncset.done $0x0  }
0x15: {  	[sflag:s9] =	ssyncadd.s32 $0xFFFF8300  }
0x16: {  	[tilespmem:s12], [sflag:$0x3] =	stream.strided.gather [hbm4b:s5+s10], $0x4E80, s11, s10, $0x38;
	[tilespmem:$0xD380] =	vst v63  }
0x17: {  	_ =	swait.ge [sflag:s9], $0x4E80  }
0x18: {  	[sflag:s9] =	ssyncset.done $0x0  }
0x19: {  	[sflag:s9] =	ssyncadd.s32 $0xFFFFB180  }
0x1a: {  	[tilespmem:$0xCE80] =	vst v0  }
0x1b: {  	[tilespmem:$0xCE90] =	vst v0  }
0x1c: {  	[tilespmem:$0xCEA0] =	vst v0  }
0x1d: {  	[tilespmem:$0xCEB0] =	vst v0  }
0x1e: {  	[tilespmem:$0xCEC0] =	vst v0  }
0x1f: {  	[tilespmem:$0xCED0] =	vst v0  }
0x20: {  	[tilespmem:$0xCEE0] =	vst v0  }
0x21: {  	[tilespmem:$0xCEF0] =	vst v0  }
0x22: {  	[tilespmem:$0xCF00] =	vst v0  }
0x23: {  	[tilespmem:$0xCF10] =	vst v0  }
0x24: {  	[tilespmem:$0xCF20] =	vst v0  }
0x25: {  	[tilespmem:$0xCF30] =	vst v0  }
0x26: {  	[tilespmem:$0xCF40] =	vst v0  }
0x27: {  	[tilespmem:$0xCF50] =	vst v0  }
0x28: {  	[tilespmem:$0xCF60] =	vst v0  }
0x29: {  	[tilespmem:$0xCF70] =	vst v0  }
0x2a: {  	[tilespmem:$0xCF80] =	vst v0  }
0x2b: {  	[tilespmem:$0xCF90] =	vst v0  }
0x2c: {  	[tilespmem:$0xCFA0] =	vst v0  }
0x2d: {  	[tilespmem:$0xCFB0] =	vst v0  }
0x2e: {  	[tilespmem:$0xCFC0] =	vst v0  }
0x2f: {  	[tilespmem:$0xCFD0] =	vst v0  }
0x30: {  	[tilespmem:$0xCFE0] =	vst v0  }
0x31: {  	[tilespmem:$0xCFF0] =	vst v0  }
0x32: {  	[tilespmem:$0xD000] =	vst v0  }
0x33: {  	[tilespmem:$0xD010] =	vst v0  }
0x34: {  	[tilespmem:$0xD020] =	vst v0  }
0x35: {  	[tilespmem:$0xD030] =	vst v0  }
0x36: {  	[tilespmem:$0xD040] =	vst v0  }
0x37: {  	[tilespmem:$0xD050] =	vst v0  }
0x38: {  	[tilespmem:$0xD060] =	vst v0  }
0x39: {  	[tilespmem:$0xD070] =	vst v0  }
0x3a: {  	[tilespmem:$0xD080] =	vst v0  }
0x3b: {  	[tilespmem:$0xD090] =	vst v0  }
0x3c: {  	[tilespmem:$0xD0A0] =	vst v0  }
0x3d: {  	[tilespmem:$0xD0B0] =	vst v0  }
0x3e: {  	[tilespmem:$0xD0C0] =	vst v0  }
0x3f: {  	[tilespmem:$0xD0D0] =	vst v0  }
0x40: {  	[tilespmem:$0xD0E0] =	vst v0  }
0x41: {  	[tilespmem:$0xD0F0] =	vst v0  }
0x42: {  	[spmem:s6] =	stream.linear.scatter [tilespmem:s13], [sflag:$0x3], $0x280, $0x38;
	[tilespmem:$0xD380] =	vst v63  }
0x43: {  	_ =	swait.ge [sflag:s9], $0x280  }
0x44: {  	[sflag:s9] =	ssyncset.done $0x0  }
0x45: {  	[sflag:s9] =	ssyncadd.s32 $0xFFFFFD80  }
0x46: {  	[bflag:$0x0] =	sbarrier.arrive $0xFFFF  }
0x47: {  	[spmem:s1] =	stream.indirect.scatter.add.f32 [tilespmem:s12], [sflag:$0x1], $0x1, s3, s14, $0xb8;
	[tilespmem:$0xD380] =	vst v63  }
0x48: {  	_ = 	snop  }
0x49: {  	[spmem:s1] =	stream.indirect.scatter.add.f32 [tilespmem:s15], [sflag:$0x2], $0x1, s10, s14, $0xb8;
	[tilespmem:$0xD380] =	vst v63  }
0x4a: {  	_ =	swait.ge [sflag:s16], $0x50  }
0x4b: {  	[sflag:s16] =	ssyncset.done $0x0  }
0x4c: {  	s21 =	simm.s32 $0x80A0;
	s22 =	simm.s32 $0x100;
	[sflag:s16] =	ssyncadd.s32 $0xFFFFFFB0  }
0x4d: {  	[spmem:s1] =	stream.indirect.scatter.add.f32 [tilespmem:s21], [sflag:$0x1], $0x1, s22, s14, $0xb8;
	[tilespmem:$0xD380] =	vst v63  }
0x4e: {  	_ =	swait.ge [sflag:s17], $0x50  }
0x4f: {  	s23 =	simm.s32 $0x80F0;
	s24 =	simm.s32 $0x180;
	[sflag:s17] =	ssyncset.done $0x0  }
0x50: {  	s21 =	simm.s32 $0xFFFE1400;
	s22 =	simm.s32 $0x8140;
	[sflag:s17] =	ssyncadd.s32 $0xFFFFFFB0  }
.LBB2_2:
0x51: {  	[spmem:s1] =	stream.indirect.scatter.add.f32 [tilespmem:s23], [sflag:$0x2], $0x1, s24, s14, $0xb8;
	[tilespmem:$0xD380] =	vst v63  }
0x52: {  	s23 =	smov.u32 s21;
	s24 =	smov.u32 s22  }
0x53: {  	p1 =	sne.s32 s21, $0xFFFFFC00;
	s21 =	sadd.s32 $0x400, s21;
	_ =	swait.ge [sflag:s16], $0x50  }
0x54: {  	s25 =	sshra.s32 s23, $0x2;
	[sflag:s16] =	ssyncset.done $0x0  }
.Ltmp0:
0x55: {  	s23 =	sadd.s32 $0x7D00, s25;
	[sflag:s16] =	ssyncadd.s32 $0xFFFFFFB0;
	(pc) =	sbr.rel @p1 .LBB2_2-.Ltmp0, $4  }
0x56: {  	[spmem:s1] =	stream.indirect.scatter.add.f32 [tilespmem:s22], [sflag:$0x1], $0x1, s23, s14, $0xb8;
	[tilespmem:$0xD380] =	vst v63  }
0x57: {  	_ =	swait.ge [sflag:s17], $0x50  }
0x58: {  	s22 =	sadd.s32 $0xA0, s22;
	[sflag:s17] =	ssyncset.done $0x0  }
0x59: {  	s23 =	sadd.s32 $0x50, s24;
	s24 =	sadd.s32 $0x7D80, s25;
	[sflag:s17] =	ssyncadd.s32 $0xFFFFFFB0  }
0x5a: {  	[spmem:s1] =	stream.indirect.scatter.add.f32 [tilespmem:s23], [sflag:$0x2], $0x1, s24, s14, $0xb8;
	[tilespmem:$0xD380] =	vst v63  }
0x5b: {  	_ =	swait.ge [sflag:s16], $0x50  }
0x5c: {  	[sflag:s16] =	ssyncset.done $0x0  }
0x5d: {  	[sflag:s16] =	ssyncadd.s32 $0xFFFFFFB0  }
0x5e: {  	_ =	swait.ge [sflag:s17], $0x50  }
0x5f: {  	s20 =	sadd.s32 $0x1, s20;
	[sflag:s17] =	ssyncset.done $0x0  }
0x60: {  	p1 =	sne.s32 s20, s8;
	[sflag:s17] =	ssyncadd.s32 $0xFFFFFFB0  }
.Ltmp1:
0x61: {  	s21 =	simm.s32 @!p0 $0x3;
	[bflag:$0x0] =	sbarrier.arrive $0xFFFF;
	(pc) =	sbr.rel @p1 .LBB2_1-.Ltmp1, $4  }
0x62: {  	[hbm:s7], [sflag:s18] =	dma.local @!p0 [spmem:s19], $0x50  }
0x63: {  	_ =	swait.ge @!p0 [sflag:s21], $0x50  }
0x64: {  	[sflag:s21] =	ssyncset.done @!p0 $0x0  }
0x65: {  	[sflag:s21] =	ssyncadd.s32 @!p0 $0xFFFFFFB0  }
0x66: {  	_ =	sfence.sel $0x180000  }
0x67: {  	[bflag:$0x0] =	sbarrier.arrive $0xFFFF  }
0x68: {  	p0 =	sne.s32 s2, $0x0;
	_ =	strace $0x90000047  }
0x69: {  	s0 =	sadd.s32 @!p0 $0x100000, s0;
	[bflag:$0x2] =	sbarrier.arrive $0xFFFF  }
0x6a: {  	[sflag:s0] =	ssyncadd.tile.s32 @!p0 $0x1;
	_ =	shalt  }
.Lfunc_end2:
_tile_overlayer_lowered:
.L_overlay_start_2:
0x6b: {  	(tag) =	ssettag $0x2  }
0x6c: {  	s0 =	rddreg [dreg:$0x0];
	s2 =	stileid.u32  }
0x6d: {  	s1 =	rddreg [dreg:$0x1];
	p0 =	sne.s32 s2, $0x0  }
0x6e: {  	s3 =	rddreg [dreg:$0x2];
	[bflag:$0x3] =	sbarrier.arrive $0xFFFF;
	s2 =	simm.s32 @!p0 $0x1C03  }
0x6f: {  	[timem:s3], [sflag:s2] =	dma.local @!p0 [hbm:s0], s1  }
0x70: {  	s0 =	simm.s32 @!p0 $0x3  }
0x71: {  	_ =	swait.ge @!p0 [sflag:s0], s1  }
0x72: {  	s1 =	ssub.s32 @!p0 $0x0, s1;
	[sflag:s0] =	ssyncset.done @!p0 $0x0  }
0x73: {  	[sflag:s0] =	ssyncadd.s32 @!p0 s1  }
0x74: {  	[bflag:$0x3] =	sbarrier.arrive $0xFFFF  }
0x75: {  	_ =	shalt  }

</sc_bundles>
